<compile_context>
chip_gen: v7x
topology: tpu7x:2x2x1
jax: 0.10.2.dev20260603
libtpu: 0.0.44.dev20260713+nightly
codegen_flags: <defaults>
</compile_context>

<pallas_src>
import functools

import jax
import jax.numpy as jnp
from jax import lax
from jax.experimental import pallas as pl
from jax.experimental.pallas import tpu as pltpu
from jax.experimental.pallas import tpu_sc as plsc

NUM_SAMPLE = 32
_NW = 32
_C = 8
_ROWS = _C * NUM_SAMPLE
_LG = 8
_BN = 512
_NB1 = 11


def _sc_body(nb_hbm, out_hbm, nbuf, sums, sem, *, num_chunks, row0):
    wid = lax.axis_index("s") * 2 + lax.axis_index("c")

    def start(i):
        c = wid + i * _NW
        slot = lax.rem(i, 2)

        @pl.when(c < num_chunks)
        def _():
            pltpu.async_copy(
                nb_hbm.at[pl.ds(row0 + c * _ROWS, _ROWS)], nbuf.at[slot],
                sem.at[slot],
            )

    start(jnp.int32(0))
    max_iters = (num_chunks + _NW - 1) // _NW

    def iter_body(i, carry):
        c = wid + i * _NW
        slot = lax.rem(i, 2)
        start(i + 1)

        @pl.when(c < num_chunks)
        def _():
            pltpu.make_async_copy(
                nb_hbm.at[pl.ds(row0 + c * _ROWS, _ROWS)], nbuf.at[slot],
                sem.at[slot],
            ).wait()

            def node_body(j, _):
                def rbody(r, acc):
                    row = j * NUM_SAMPLE + 2 * r
                    loaded = tuple(
                        acc[k]
                        + nbuf[slot, row, pl.ds(k * 16, 16)]
                        + nbuf[slot, row + 1, pl.ds(k * 16, 16)]
                        for k in range(_LG)
                    )
                    return loaded

                acc = lax.fori_loop(
                    0, NUM_SAMPLE // 2, rbody,
                    tuple(jnp.zeros((16,), jnp.float32) for _ in range(_LG)),
                )
                for k in range(_LG):
                    sums[j, pl.ds(k * 16, 16)] = acc[k]
                return 0

            lax.fori_loop(0, _C, node_body, 0)
            pltpu.sync_copy(sums, out_hbm.at[pl.ds(c * _C, _C)])
        return 0

    lax.fori_loop(0, max_iters, iter_body, 0)


def _sc_segment_sums(neighbor_feats, node0, n_nodes_sc):
    d = neighbor_feats.shape[1]
    num_chunks = pl.cdiv(n_nodes_sc, _C)
    mesh = plsc.VectorSubcoreMesh(core_axis_name="c", subcore_axis_name="s")
    body = functools.partial(
        _sc_body, num_chunks=num_chunks, row0=node0 * NUM_SAMPLE
    )
    return pl.kernel(
        body,
        out_type=jax.ShapeDtypeStruct((n_nodes_sc, d), jnp.float32),
        mesh=mesh,
        scratch_types=[
            pltpu.VMEM((2, _ROWS, d), jnp.float32),
            pltpu.VMEM((_C, d), jnp.float32),
            pltpu.SemaphoreType.DMA((2,)),
        ],
    )(neighbor_feats)


def _tc_fused_body(nf_ref, nb_ref, w1_ref, w2_ref, out_ref):
    bn = nf_ref.shape[0]
    d = nf_ref.shape[1]
    mean = jnp.mean(nb_ref[...].reshape(bn, NUM_SAMPLE, d), axis=1)
    top = jax.lax.dot_general(w1_ref[...], nf_ref[...], (((1,), (1,)), ((), ())),
                              preferred_element_type=jnp.float32)
    bot = jax.lax.dot_general(w2_ref[...], mean, (((1,), (1,)), ((), ())),
                              preferred_element_type=jnp.float32)
    out_ref[...] = jnp.maximum(jnp.concatenate([top, bot], axis=0), 0.0)


def _tc_tail_body(buf_ref, nf_ref, sums_ref, w1_ref, w2_ref, out_ref):
    del buf_ref
    top = jax.lax.dot_general(w1_ref[...], nf_ref[...], (((1,), (1,)), ((), ())),
                              preferred_element_type=jnp.float32)
    w2s = w2_ref[...] * (1.0 / NUM_SAMPLE)
    bot = jax.lax.dot_general(w2s, sums_ref[...], (((1,), (1,)), ((), ())),
                              preferred_element_type=jnp.float32)
    out_ref[...] = jnp.maximum(jnp.concatenate([top, bot], axis=0), 0.0)


def kernel(node_feats, neighbor_feats, node_count, W1, W2):
    n, d = node_feats.shape
    e2 = W1.shape[0]
    n1 = _NB1 * _BN
    n_sc = n - n1

    sums = _sc_segment_sums(neighbor_feats, n1, n_sc)

    out_a = pl.pallas_call(
        _tc_fused_body,
        grid=(_NB1,),
        in_specs=[
            pl.BlockSpec((_BN, d), lambda i: (i, 0)),
            pl.BlockSpec((_BN * NUM_SAMPLE, d), lambda i: (i, 0)),
            pl.BlockSpec((e2, d), lambda i: (0, 0)),
            pl.BlockSpec((e2, d), lambda i: (0, 0)),
        ],
        out_specs=pl.BlockSpec((2 * e2, _BN), lambda i: (0, i)),
        out_shape=jax.ShapeDtypeStruct((2 * e2, n), jnp.float32),
        compiler_params=pltpu.CompilerParams(
            dimension_semantics=("parallel",),
        ),
    )(node_feats, neighbor_feats, W1, W2)

    nb_tail = pl.cdiv(n_sc, _BN)
    out = pl.pallas_call(
        _tc_tail_body,
        grid=(nb_tail,),
        in_specs=[
            pl.BlockSpec(memory_space=pltpu.HBM),
            pl.BlockSpec((_BN, d), lambda i: (i + _NB1, 0)),
            pl.BlockSpec((_BN, d), lambda i: (i, 0)),
            pl.BlockSpec((e2, d), lambda i: (0, 0)),
            pl.BlockSpec((e2, d), lambda i: (0, 0)),
        ],
        out_specs=pl.BlockSpec((2 * e2, _BN), lambda i: (0, i + _NB1)),
        out_shape=jax.ShapeDtypeStruct((2 * e2, n), jnp.float32),
        input_output_aliases={0: 0},
        compiler_params=pltpu.CompilerParams(
            dimension_semantics=("parallel",),
        ),
    )(out_a, node_feats, sums, W1, W2)
    return out

# --- scband reference (transcript-rebuilt; emitter-appended) ---
"""Pipeline reference for scband-saint-encoder-54820962566190 (READ-ONLY COPY).

The authoritative reference and input builder live on the scoring server;
editing this copy changes nothing except your own understanding.
"""

import jax, jax.numpy as jnp
import numpy as np

N = 10000
NUM_SAMPLE = 32
D = 128
EMBED = 300


def setup_inputs(seed: int = 0) -> dict:
    key = jax.random.key(seed)
    k1, k2, k3, k4 = jax.random.split(key, 4)
    node_feats = jax.random.normal(k1, (N, D), dtype=jnp.float32)
    neighbor_feats = jax.random.normal(k2, (N * NUM_SAMPLE, D), dtype=jnp.float32)
    # xavier_uniform for weight_1/weight_2 of shape [embed_dim//2, intermediate_dim]
    lim = float(np.sqrt(6.0 / (EMBED // 2 + D)))
    W1 = jax.random.uniform(k3, (EMBED // 2, D), minval=-lim, maxval=lim, dtype=jnp.float32)
    W2 = jax.random.uniform(k4, (EMBED // 2, D), minval=-lim, maxval=lim, dtype=jnp.float32)
    return {
        "node_feats": node_feats,
        "neighbor_feats": neighbor_feats,
        "node_count": N,
        "W1": W1,
        "W2": W2,
    }


def reference(node_feats, neighbor_feats, node_count, W1, W2):
    # Aggregator: mean over each node's num_sample sampled neighbors
    static_count = node_feats.shape[0]
    neigh_feats = neighbor_feats.reshape(static_count, NUM_SAMPLE, -1).mean(axis=1)
    # features is identity: self_feats = node_feats
    self_feats = node_feats
    combined = jnp.concatenate([W1 @ self_feats.T, W2 @ neigh_feats.T], axis=0)
    combined = jax.nn.relu(combined)
    count_zero = (jnp.asarray(node_count) * 0).astype(combined.dtype)
    return combined + count_zero

if __name__ == "__main__":
    import jax
    _d = setup_inputs()
    print(jax.jit(kernel)(*tuple(_d.values())))

</pallas_src>

<mosaic_0001>
#map = affine_map<(d0, d1) -> (0, 0)>
module attributes {stable_mosaic.version = 14 : i64} {
  func.func @_sc_body(%arg0: i32, %arg1: i32, %arg2: memref<320000x128xf32, #tpu.memory_space<hbm>>, %arg3: memref<4368x128xf32, #tpu.memory_space<hbm>>, %arg4: memref<2x256x128xf32, #tpu.memory_space<vmem>>, %arg5: memref<8x128xf32, #tpu.memory_space<vmem>>, %arg6: memref<2x!tpu.dma_semaphore, #tpu.memory_space<semaphore_mem>>) attributes {dimension_semantics = [#tpu.dimension_semantics<core_parallel>, #tpu.dimension_semantics<subcore_parallel>], iteration_bounds = array<i64: 2, 16>, scalar_prefetch = 0 : i64, scratch_operands = 3 : i64, tpu.core_type = #tpu.core_type<sc_vector_subcore>, window_params = [{transform_indices = #map}, {transform_indices = #map}]} {
    %mul3A = arith.constant 2 : i32
    %mul3A_0 = arith.muli %arg1, %mul3A : i32
    %add3A = arith.addi %mul3A_0, %arg0 : i32
    %mul3A_1 = arith.constant 0 : i32
    %mul3A_2 = arith.constant 32 : i32
    %mul3A_3 = arith.muli %mul3A_1, %mul3A_2 : i32
    %add3A_4 = arith.addi %add3A, %mul3A_3 : i32
    %rem3A = arith.constant 0 : i32
    %rem3A_5 = arith.constant 2 : i32
    %rem3A_6 = arith.remsi %rem3A, %rem3A_5 : i32
    %lt3A = arith.constant 546 : i32
    %lt3A_7 = arith.cmpi slt, %add3A_4, %lt3A : i32
    %convert_element_type3A = arith.extui %lt3A_7 : i1 to i32
    %cond3A = arith.constant 0 : i32
    %cond3A_8 = arith.cmpi ne, %convert_element_type3A, %cond3A : i32
    scf.if %cond3A_8 {
      %mul3A_15 = arith.constant 256 : i32
      %mul3A_16 = arith.muli %add3A_4, %mul3A_15 : i32
      %add3A_17 = arith.constant 180224 : i32
      %add3A_18 = arith.addi %add3A_17, %mul3A_16 : i32
      %dma_start3A = arith.constant 0 : i32
      %dma_start3A_19 = arith.constant 0 : i32
      %dma_start3A_20 = tpu.memref_slice %arg4[%rem3A_6, %dma_start3A, %dma_start3A_19] : memref<2x256x128xf32, #tpu.memory_space<vmem>> -> memref<1x256x128xf32, #tpu.memory_space<vmem>>
      %dma_start3A_21 = tpu.memref_squeeze %dma_start3A_20 : memref<1x256x128xf32, #tpu.memory_space<vmem>> -> memref<256x128xf32, #tpu.memory_space<vmem>>
      %dma_start3A_22 = arith.constant 0 : i32
      %dma_start3A_23 = tpu.memref_slice %arg2[%add3A_18, %dma_start3A_22] : memref<320000x128xf32, #tpu.memory_space<hbm>> -> memref<256x128xf32, #tpu.memory_space<hbm>>
      %dma_start3A_24 = tpu.memref_slice %arg6[%rem3A_6] : memref<2x!tpu.dma_semaphore, #tpu.memory_space<semaphore_mem>> -> memref<1x!tpu.dma_semaphore, #tpu.memory_space<semaphore_mem>>
      %dma_start3A_25 = tpu.memref_squeeze %dma_start3A_24 : memref<1x!tpu.dma_semaphore, #tpu.memory_space<semaphore_mem>> -> memref<!tpu.dma_semaphore, #tpu.memory_space<semaphore_mem>>
      %dma_start3A_26 = arith.constant 0 : i32
      %dma_start3A_27 = arith.constant 0 : i32
      %dma_start3A_28 = tpu.memref_slice %arg4[%rem3A_6, %dma_start3A_26, %dma_start3A_27] : memref<2x256x128xf32, #tpu.memory_space<vmem>> -> memref<1x256x128xf32, #tpu.memory_space<vmem>>
      %dma_start3A_29 = tpu.memref_squeeze %dma_start3A_28 : memref<1x256x128xf32, #tpu.memory_space<vmem>> -> memref<256x128xf32, #tpu.memory_space<vmem>>
      %dma_start3A_30 = arith.constant 0 : i32
      %dma_start3A_31 = tpu.memref_slice %arg2[%add3A_18, %dma_start3A_30] : memref<320000x128xf32, #tpu.memory_space<hbm>> -> memref<256x128xf32, #tpu.memory_space<hbm>>
      tpu.enqueue_dma source(%dma_start3A_31 : memref<256x128xf32, #tpu.memory_space<hbm>>) target(%dma_start3A_29 : memref<256x128xf32, #tpu.memory_space<vmem>>) target_semaphore(%dma_start3A_25 : memref<!tpu.dma_semaphore, #tpu.memory_space<semaphore_mem>>)
    } else {
    }
    %scan3A = arith.constant 0 : i32
    %scan3A_9 = arith.constant 0 : i32
    %scan3A_10 = arith.constant 18 : i32
    %scan3A_11 = arith.addi %scan3A_9, %scan3A_10 : i32
    %scan3A_12 = arith.constant 1 : i32
    %scan3A_13 = scf.for %scan3A_15 = %scan3A_9 to %scan3A_11 step %scan3A_12 iter_args(%scan3A_16 = %scan3A) -> (i32)  : i32 {
      %mul3A_17 = arith.constant 32 : i32
      %mul3A_18 = arith.muli %scan3A_15, %mul3A_17 : i32
      %add3A_19 = arith.addi %add3A, %mul3A_18 : i32
      %rem3A_20 = arith.constant 2 : i32
      %rem3A_21 = arith.remsi %scan3A_15, %rem3A_20 : i32
      %add3A_22 = arith.constant 1 : i32
      %add3A_23 = arith.addi %scan3A_15, %add3A_22 : i32
      %mul3A_24 = arith.constant 32 : i32
      %mul3A_25 = arith.muli %add3A_23, %mul3A_24 : i32
      %add3A_26 = arith.addi %add3A, %mul3A_25 : i32
      %rem3A_27 = arith.constant 2 : i32
      %rem3A_28 = arith.remsi %add3A_23, %rem3A_27 : i32
      %lt3A_29 = arith.constant 546 : i32
      %lt3A_30 = arith.cmpi slt, %add3A_26, %lt3A_29 : i32
      %convert_element_type3A_31 = arith.extui %lt3A_30 : i1 to i32
      %cond3A_32 = arith.constant 0 : i32
      %cond3A_33 = arith.cmpi ne, %convert_element_type3A_31, %cond3A_32 : i32
      scf.if %cond3A_33 {
        %mul3A_40 = arith.constant 256 : i32
        %mul3A_41 = arith.muli %add3A_26, %mul3A_40 : i32
        %add3A_42 = arith.constant 180224 : i32
        %add3A_43 = arith.addi %add3A_42, %mul3A_41 : i32
        %dma_start3A = arith.constant 0 : i32
        %dma_start3A_44 = arith.constant 0 : i32
        %dma_start3A_45 = tpu.memref_slice %arg4[%rem3A_28, %dma_start3A, %dma_start3A_44] : memref<2x256x128xf32, #tpu.memory_space<vmem>> -> memref<1x256x128xf32, #tpu.memory_space<vmem>>
        %dma_start3A_46 = tpu.memref_squeeze %dma_start3A_45 : memref<1x256x128xf32, #tpu.memory_space<vmem>> -> memref<256x128xf32, #tpu.memory_space<vmem>>
        %dma_start3A_47 = arith.constant 0 : i32
        %dma_start3A_48 = tpu.memref_slice %arg2[%add3A_43, %dma_start3A_47] : memref<320000x128xf32, #tpu.memory_space<hbm>> -> memref<256x128xf32, #tpu.memory_space<hbm>>
        %dma_start3A_49 = tpu.memref_slice %arg6[%rem3A_28] : memref<2x!tpu.dma_semaphore, #tpu.memory_space<semaphore_mem>> -> memref<1x!tpu.dma_semaphore, #tpu.memory_space<semaphore_mem>>
        %dma_start3A_50 = tpu.memref_squeeze %dma_start3A_49 : memref<1x!tpu.dma_semaphore, #tpu.memory_space<semaphore_mem>> -> memref<!tpu.dma_semaphore, #tpu.memory_space<semaphore_mem>>
        %dma_start3A_51 = arith.constant 0 : i32
        %dma_start3A_52 = arith.constant 0 : i32
        %dma_start3A_53 = tpu.memref_slice %arg4[%rem3A_28, %dma_start3A_51, %dma_start3A_52] : memref<2x256x128xf32, #tpu.memory_space<vmem>> -> memref<1x256x128xf32, #tpu.memory_space<vmem>>
        %dma_start3A_54 = tpu.memref_squeeze %dma_start3A_53 : memref<1x256x128xf32, #tpu.memory_space<vmem>> -> memref<256x128xf32, #tpu.memory_space<vmem>>
        %dma_start3A_55 = arith.constant 0 : i32
        %dma_start3A_56 = tpu.memref_slice %arg2[%add3A_43, %dma_start3A_55] : memref<320000x128xf32, #tpu.memory_space<hbm>> -> memref<256x128xf32, #tpu.memory_space<hbm>>
        tpu.enqueue_dma source(%dma_start3A_56 : memref<256x128xf32, #tpu.memory_space<hbm>>) target(%dma_start3A_54 : memref<256x128xf32, #tpu.memory_space<vmem>>) target_semaphore(%dma_start3A_50 : memref<!tpu.dma_semaphore, #tpu.memory_space<semaphore_mem>>)
      } else {
      }
      %lt3A_34 = arith.constant 546 : i32
      %lt3A_35 = arith.cmpi slt, %add3A_19, %lt3A_34 : i32
      %convert_element_type3A_36 = arith.extui %lt3A_35 : i1 to i32
      %cond3A_37 = arith.constant 0 : i32
      %cond3A_38 = arith.cmpi ne, %convert_element_type3A_36, %cond3A_37 : i32
      scf.if %cond3A_38 {
        %mul3A_40 = arith.constant 256 : i32
        %mul3A_41 = arith.muli %add3A_19, %mul3A_40 : i32
        %add3A_42 = arith.constant 180224 : i32
        %add3A_43 = arith.addi %add3A_42, %mul3A_41 : i32
        %dma_wait3A = arith.constant 0 : i32
        %dma_wait3A_44 = arith.constant 0 : i32
        %dma_wait3A_45 = tpu.memref_slice %arg4[%rem3A_21, %dma_wait3A, %dma_wait3A_44] : memref<2x256x128xf32, #tpu.memory_space<vmem>> -> memref<1x256x128xf32, #tpu.memory_space<vmem>>
        %dma_wait3A_46 = tpu.memref_squeeze %dma_wait3A_45 : memref<1x256x128xf32, #tpu.memory_space<vmem>> -> memref<256x128xf32, #tpu.memory_space<vmem>>
        %dma_wait3A_47 = arith.constant 0 : i32
        %dma_wait3A_48 = tpu.memref_slice %arg2[%add3A_43, %dma_wait3A_47] : memref<320000x128xf32, #tpu.memory_space<hbm>> -> memref<256x128xf32, #tpu.memory_space<hbm>>
        %dma_wait3A_49 = tpu.memref_slice %arg6[%rem3A_21] : memref<2x!tpu.dma_semaphore, #tpu.memory_space<semaphore_mem>> -> memref<1x!tpu.dma_semaphore, #tpu.memory_space<semaphore_mem>>
        %dma_wait3A_50 = tpu.memref_squeeze %dma_wait3A_49 : memref<1x!tpu.dma_semaphore, #tpu.memory_space<semaphore_mem>> -> memref<!tpu.dma_semaphore, #tpu.memory_space<semaphore_mem>>
        %dma_wait3A_51 = arith.constant 0 : i32
        %dma_wait3A_52 = arith.constant 0 : i32
        %dma_wait3A_53 = tpu.memref_slice %arg4[%rem3A_21, %dma_wait3A_51, %dma_wait3A_52] : memref<2x256x128xf32, #tpu.memory_space<vmem>> -> memref<1x256x128xf32, #tpu.memory_space<vmem>>
        %dma_wait3A_54 = tpu.memref_squeeze %dma_wait3A_53 : memref<1x256x128xf32, #tpu.memory_space<vmem>> -> memref<256x128xf32, #tpu.memory_space<vmem>>
        %dma_wait3A_55 = arith.constant 0 : i32
        %dma_wait3A_56 = tpu.memref_slice %arg2[%add3A_43, %dma_wait3A_55] : memref<320000x128xf32, #tpu.memory_space<hbm>> -> memref<256x128xf32, #tpu.memory_space<hbm>>
        tpu.wait_dma2 semaphore(%dma_wait3A_50 : memref<!tpu.dma_semaphore, #tpu.memory_space<semaphore_mem>>) src(%dma_wait3A_56 : memref<256x128xf32, #tpu.memory_space<hbm>>) dst(%dma_wait3A_54 : memref<256x128xf32, #tpu.memory_space<vmem>>)
        %scan3A_57 = arith.constant 0 : i32
        %scan3A_58 = arith.constant 0 : i32
        %scan3A_59 = arith.constant 8 : i32
        %scan3A_60 = arith.addi %scan3A_58, %scan3A_59 : i32
        %scan3A_61 = arith.constant 1 : i32
        %scan3A_62 = scf.for %scan3A_66 = %scan3A_58 to %scan3A_60 step %scan3A_61 iter_args(%scan3A_67 = %scan3A_57) -> (i32)  : i32 {
          %broadcast_in_dim3A = arith.constant 0.000000e+00 : f32
          %broadcast_in_dim3A_68 = vector.broadcast %broadcast_in_dim3A : f32 to vector<16xf32>
          %broadcast_in_dim3A_69 = arith.constant 0.000000e+00 : f32
          %broadcast_in_dim3A_70 = vector.broadcast %broadcast_in_dim3A_69 : f32 to vector<16xf32>
          %broadcast_in_dim3A_71 = arith.constant 0.000000e+00 : f32
          %broadcast_in_dim3A_72 = vector.broadcast %broadcast_in_dim3A_71 : f32 to vector<16xf32>
          %broadcast_in_dim3A_73 = arith.constant 0.000000e+00 : f32
          %broadcast_in_dim3A_74 = vector.broadcast %broadcast_in_dim3A_73 : f32 to vector<16xf32>
          %broadcast_in_dim3A_75 = arith.constant 0.000000e+00 : f32
          %broadcast_in_dim3A_76 = vector.broadcast %broadcast_in_dim3A_75 : f32 to vector<16xf32>
          %broadcast_in_dim3A_77 = arith.constant 0.000000e+00 : f32
          %broadcast_in_dim3A_78 = vector.broadcast %broadcast_in_dim3A_77 : f32 to vector<16xf32>
          %broadcast_in_dim3A_79 = arith.constant 0.000000e+00 : f32
          %broadcast_in_dim3A_80 = vector.broadcast %broadcast_in_dim3A_79 : f32 to vector<16xf32>
          %broadcast_in_dim3A_81 = arith.constant 0.000000e+00 : f32
          %broadcast_in_dim3A_82 = vector.broadcast %broadcast_in_dim3A_81 : f32 to vector<16xf32>
          %scan3A_83 = arith.constant 0 : i32
          %scan3A_84 = arith.constant 16 : i32
          %scan3A_85 = arith.addi %scan3A_83, %scan3A_84 : i32
          %scan3A_86 = arith.constant 1 : i32
          %scan3A_87:8 = scf.for %scan3A_129 = %scan3A_83 to %scan3A_85 step %scan3A_86 iter_args(%scan3A_130 = %broadcast_in_dim3A_68, %scan3A_131 = %broadcast_in_dim3A_70, %scan3A_132 = %broadcast_in_dim3A_72, %scan3A_133 = %broadcast_in_dim3A_74, %scan3A_134 = %broadcast_in_dim3A_76, %scan3A_135 = %broadcast_in_dim3A_78, %scan3A_136 = %broadcast_in_dim3A_80, %scan3A_137 = %broadcast_in_dim3A_82) -> (vector<16xf32>, vector<16xf32>, vector<16xf32>, vector<16xf32>, vector<16xf32>, vector<16xf32>, vector<16xf32>, vector<16xf32>)  : i32 {
            %mul3A_138 = arith.constant 32 : i32
            %mul3A_139 = arith.muli %scan3A_66, %mul3A_138 : i32
            %mul3A_140 = arith.constant 2 : i32
            %mul3A_141 = arith.muli %mul3A_140, %scan3A_129 : i32
            %add3A_142 = arith.addi %mul3A_139, %mul3A_141 : i32
            %get3A = arith.index_cast %rem3A_21 : i32 to index
            %get3A_143 = arith.index_cast %add3A_142 : i32 to index
            %get3A_144 = arith.constant 0 : index
            %get3A_145 = tpu.vector_load %arg4[%get3A, %get3A_143, %get3A_144] {strides = array<i32>} : memref<2x256x128xf32, #tpu.memory_space<vmem>>, vector<1x1x16xf32>,
            %get3A_146 = vector.shape_cast %get3A_145 : vector<1x1x16xf32> to vector<16xf32>
            %add3A_147 = arith.addf %scan3A_130, %get3A_146 : vector<16xf32>
            %add3A_148 = arith.constant 1 : i32
            %add3A_149 = arith.addi %add3A_142, %add3A_148 : i32
            %get3A_150 = arith.index_cast %rem3A_21 : i32 to index
            %get3A_151 = arith.index_cast %add3A_149 : i32 to index
            %get3A_152 = arith.constant 0 : index
            %get3A_153 = tpu.vector_load %arg4[%get3A_150, %get3A_151, %get3A_152] {strides = array<i32>} : memref<2x256x128xf32, #tpu.memory_space<vmem>>, vector<1x1x16xf32>,
            %get3A_154 = vector.shape_cast %get3A_153 : vector<1x1x16xf32> to vector<16xf32>
            %add3A_155 = arith.addf %add3A_147, %get3A_154 : vector<16xf32>
            %get3A_156 = arith.index_cast %rem3A_21 : i32 to index
            %get3A_157 = arith.index_cast %add3A_142 : i32 to index
            %get3A_158 = arith.constant 16 : index
            %get3A_159 = tpu.vector_load %arg4[%get3A_156, %get3A_157, %get3A_158] {strides = array<i32>} : memref<2x256x128xf32, #tpu.memory_space<vmem>>, vector<1x1x16xf32>,
            %get3A_160 = vector.shape_cast %get3A_159 : vector<1x1x16xf32> to vector<16xf32>
            %add3A_161 = arith.addf %scan3A_131, %get3A_160 : vector<16xf32>
            %add3A_162 = arith.constant 1 : i32
            %add3A_163 = arith.addi %add3A_142, %add3A_162 : i32
            %get3A_164 = arith.index_cast %rem3A_21 : i32 to index
            %get3A_165 = arith.index_cast %add3A_163 : i32 to index
            %get3A_166 = arith.constant 16 : index
            %get3A_167 = tpu.vector_load %arg4[%get3A_164, %get3A_165, %get3A_166] {strides = array<i32>} : memref<2x256x128xf32, #tpu.memory_space<vmem>>, vector<1x1x16xf32>,
            %get3A_168 = vector.shape_cast %get3A_167 : vector<1x1x16xf32> to vector<16xf32>
            %add3A_169 = arith.addf %add3A_161, %get3A_168 : vector<16xf32>
            %get3A_170 = arith.index_cast %rem3A_21 : i32 to index
            %get3A_171 = arith.index_cast %add3A_142 : i32 to index
            %get3A_172 = arith.constant 32 : index
            %get3A_173 = tpu.vector_load %arg4[%get3A_170, %get3A_171, %get3A_172] {strides = array<i32>} : memref<2x256x128xf32, #tpu.memory_space<vmem>>, vector<1x1x16xf32>,
            %get3A_174 = vector.shape_cast %get3A_173 : vector<1x1x16xf32> to vector<16xf32>
            %add3A_175 = arith.addf %scan3A_132, %get3A_174 : vector<16xf32>
            %add3A_176 = arith.constant 1 : i32
            %add3A_177 = arith.addi %add3A_142, %add3A_176 : i32
            %get3A_178 = arith.index_cast %rem3A_21 : i32 to index
            %get3A_179 = arith.index_cast %add3A_177 : i32 to index
            %get3A_180 = arith.constant 32 : index
            %get3A_181 = tpu.vector_load %arg4[%get3A_178, %get3A_179, %get3A_180] {strides = array<i32>} : memref<2x256x128xf32, #tpu.memory_space<vmem>>, vector<1x1x16xf32>,
            %get3A_182 = vector.shape_cast %get3A_181 : vector<1x1x16xf32> to vector<16xf32>
            %add3A_183 = arith.addf %add3A_175, %get3A_182 : vector<16xf32>
            %get3A_184 = arith.index_cast %rem3A_21 : i32 to index
            %get3A_185 = arith.index_cast %add3A_142 : i32 to index
            %get3A_186 = arith.constant 48 : index
            %get3A_187 = tpu.vector_load %arg4[%get3A_184, %get3A_185, %get3A_186] {strides = array<i32>} : memref<2x256x128xf32, #tpu.memory_space<vmem>>, vector<1x1x16xf32>,
            %get3A_188 = vector.shape_cast %get3A_187 : vector<1x1x16xf32> to vector<16xf32>
            %add3A_189 = arith.addf %scan3A_133, %get3A_188 : vector<16xf32>
            %add3A_190 = arith.constant 1 : i32
            %add3A_191 = arith.addi %add3A_142, %add3A_190 : i32
            %get3A_192 = arith.index_cast %rem3A_21 : i32 to index
            %get3A_193 = arith.index_cast %add3A_191 : i32 to index
            %get3A_194 = arith.constant 48 : index
            %get3A_195 = tpu.vector_load %arg4[%get3A_192, %get3A_193, %get3A_194] {strides = array<i32>} : memref<2x256x128xf32, #tpu.memory_space<vmem>>, vector<1x1x16xf32>,
            %get3A_196 = vector.shape_cast %get3A_195 : vector<1x1x16xf32> to vector<16xf32>
            %add3A_197 = arith.addf %add3A_189, %get3A_196 : vector<16xf32>
            %get3A_198 = arith.index_cast %rem3A_21 : i32 to index
            %get3A_199 = arith.index_cast %add3A_142 : i32 to index
            %get3A_200 = arith.constant 64 : index
            %get3A_201 = tpu.vector_load %arg4[%get3A_198, %get3A_199, %get3A_200] {strides = array<i32>} : memref<2x256x128xf32, #tpu.memory_space<vmem>>, vector<1x1x16xf32>,
            %get3A_202 = vector.shape_cast %get3A_201 : vector<1x1x16xf32> to vector<16xf32>
            %add3A_203 = arith.addf %scan3A_134, %get3A_202 : vector<16xf32>
            %add3A_204 = arith.constant 1 : i32
            %add3A_205 = arith.addi %add3A_142, %add3A_204 : i32
            %get3A_206 = arith.index_cast %rem3A_21 : i32 to index
            %get3A_207 = arith.index_cast %add3A_205 : i32 to index
            %get3A_208 = arith.constant 64 : index
            %get3A_209 = tpu.vector_load %arg4[%get3A_206, %get3A_207, %get3A_208] {strides = array<i32>} : memref<2x256x128xf32, #tpu.memory_space<vmem>>, vector<1x1x16xf32>,
            %get3A_210 = vector.shape_cast %get3A_209 : vector<1x1x16xf32> to vector<16xf32>
            %add3A_211 = arith.addf %add3A_203, %get3A_210 : vector<16xf32>
            %get3A_212 = arith.index_cast %rem3A_21 : i32 to index
            %get3A_213 = arith.index_cast %add3A_142 : i32 to index
            %get3A_214 = arith.constant 80 : index
            %get3A_215 = tpu.vector_load %arg4[%get3A_212, %get3A_213, %get3A_214] {strides = array<i32>} : memref<2x256x128xf32, #tpu.memory_space<vmem>>, vector<1x1x16xf32>,
            %get3A_216 = vector.shape_cast %get3A_215 : vector<1x1x16xf32> to vector<16xf32>
            %add3A_217 = arith.addf %scan3A_135, %get3A_216 : vector<16xf32>
            %add3A_218 = arith.constant 1 : i32
            %add3A_219 = arith.addi %add3A_142, %add3A_218 : i32
            %get3A_220 = arith.index_cast %rem3A_21 : i32 to index
            %get3A_221 = arith.index_cast %add3A_219 : i32 to index
            %get3A_222 = arith.constant 80 : index
            %get3A_223 = tpu.vector_load %arg4[%get3A_220, %get3A_221, %get3A_222] {strides = array<i32>} : memref<2x256x128xf32, #tpu.memory_space<vmem>>, vector<1x1x16xf32>,
            %get3A_224 = vector.shape_cast %get3A_223 : vector<1x1x16xf32> to vector<16xf32>
            %add3A_225 = arith.addf %add3A_217, %get3A_224 : vector<16xf32>
            %get3A_226 = arith.index_cast %rem3A_21 : i32 to index
            %get3A_227 = arith.index_cast %add3A_142 : i32 to index
            %get3A_228 = arith.constant 96 : index
            %get3A_229 = tpu.vector_load %arg4[%get3A_226, %get3A_227, %get3A_228] {strides = array<i32>} : memref<2x256x128xf32, #tpu.memory_space<vmem>>, vector<1x1x16xf32>,
            %get3A_230 = vector.shape_cast %get3A_229 : vector<1x1x16xf32> to vector<16xf32>
            %add3A_231 = arith.addf %scan3A_136, %get3A_230 : vector<16xf32>
            %add3A_232 = arith.constant 1 : i32
            %add3A_233 = arith.addi %add3A_142, %add3A_232 : i32
            %get3A_234 = arith.index_cast %rem3A_21 : i32 to index
            %get3A_235 = arith.index_cast %add3A_233 : i32 to index
            %get3A_236 = arith.constant 96 : index
            %get3A_237 = tpu.vector_load %arg4[%get3A_234, %get3A_235, %get3A_236] {strides = array<i32>} : memref<2x256x128xf32, #tpu.memory_space<vmem>>, vector<1x1x16xf32>,
            %get3A_238 = vector.shape_cast %get3A_237 : vector<1x1x16xf32> to vector<16xf32>
            %add3A_239 = arith.addf %add3A_231, %get3A_238 : vector<16xf32>
            %get3A_240 = arith.index_cast %rem3A_21 : i32 to index
            %get3A_241 = arith.index_cast %add3A_142 : i32 to index
            %get3A_242 = arith.constant 112 : index
            %get3A_243 = tpu.vector_load %arg4[%get3A_240, %get3A_241, %get3A_242] {strides = array<i32>} : memref<2x256x128xf32, #tpu.memory_space<vmem>>, vector<1x1x16xf32>,
            %get3A_244 = vector.shape_cast %get3A_243 : vector<1x1x16xf32> to vector<16xf32>
            %add3A_245 = arith.addf %scan3A_137, %get3A_244 : vector<16xf32>
            %add3A_246 = arith.constant 1 : i32
            %add3A_247 = arith.addi %add3A_142, %add3A_246 : i32
            %get3A_248 = arith.index_cast %rem3A_21 : i32 to index
            %get3A_249 = arith.index_cast %add3A_247 : i32 to index
            %get3A_250 = arith.constant 112 : index
            %get3A_251 = tpu.vector_load %arg4[%get3A_248, %get3A_249, %get3A_250] {strides = array<i32>} : memref<2x256x128xf32, #tpu.memory_space<vmem>>, vector<1x1x16xf32>,
            %get3A_252 = vector.shape_cast %get3A_251 : vector<1x1x16xf32> to vector<16xf32>
            %add3A_253 = arith.addf %add3A_245, %get3A_252 : vector<16xf32>
            scf.yield %add3A_155, %add3A_169, %add3A_183, %add3A_197, %add3A_211, %add3A_225, %add3A_239, %add3A_253 : vector<16xf32>, vector<16xf32>, vector<16xf32>, vector<16xf32>, vector<16xf32>, vector<16xf32>, vector<16xf32>, vector<16xf32>
          }
          %scan3A_88 = arith.constant 16 : i32
          %swap3A = arith.index_cast %scan3A_66 : i32 to index
          %swap3A_89 = arith.constant 0 : index
          %swap3A_90 = tpu.vector_load %arg5[%swap3A, %swap3A_89] {strides = array<i32>} : memref<8x128xf32, #tpu.memory_space<vmem>>, vector<1x16xf32>,
          %swap3A_91 = vector.shape_cast %swap3A_90 : vector<1x16xf32> to vector<16xf32>
          %swap3A_92 = vector.shape_cast %scan3A_87#0 : vector<16xf32> to vector<1x16xf32>
          tpu.vector_store %arg5[%swap3A, %swap3A_89], %swap3A_92 {strides = array<i32>} : memref<8x128xf32, #tpu.memory_space<vmem>>, vector<1x16xf32>,
          %swap3A_93 = arith.index_cast %scan3A_66 : i32 to index
          %swap3A_94 = arith.constant 16 : index
          %swap3A_95 = tpu.vector_load %arg5[%swap3A_93, %swap3A_94] {strides = array<i32>} : memref<8x128xf32, #tpu.memory_space<vmem>>, vector<1x16xf32>,
          %swap3A_96 = vector.shape_cast %swap3A_95 : vector<1x16xf32> to vector<16xf32>
          %swap3A_97 = vector.shape_cast %scan3A_87#1 : vector<16xf32> to vector<1x16xf32>
          tpu.vector_store %arg5[%swap3A_93, %swap3A_94], %swap3A_97 {strides = array<i32>} : memref<8x128xf32, #tpu.memory_space<vmem>>, vector<1x16xf32>,
          %swap3A_98 = arith.index_cast %scan3A_66 : i32 to index
          %swap3A_99 = arith.constant 32 : index
          %swap3A_100 = tpu.vector_load %arg5[%swap3A_98, %swap3A_99] {strides = array<i32>} : memref<8x128xf32, #tpu.memory_space<vmem>>, vector<1x16xf32>,
          %swap3A_101 = vector.shape_cast %swap3A_100 : vector<1x16xf32> to vector<16xf32>
          %swap3A_102 = vector.shape_cast %scan3A_87#2 : vector<16xf32> to vector<1x16xf32>
          tpu.vector_store %arg5[%swap3A_98, %swap3A_99], %swap3A_102 {strides = array<i32>} : memref<8x128xf32, #tpu.memory_space<vmem>>, vector<1x16xf32>,
          %swap3A_103 = arith.index_cast %scan3A_66 : i32 to index
          %swap3A_104 = arith.constant 48 : index
          %swap3A_105 = tpu.vector_load %arg5[%swap3A_103, %swap3A_104] {strides = array<i32>} : memref<8x128xf32, #tpu.memory_space<vmem>>, vector<1x16xf32>,
          %swap3A_106 = vector.shape_cast %swap3A_105 : vector<1x16xf32> to vector<16xf32>
          %swap3A_107 = vector.shape_cast %scan3A_87#3 : vector<16xf32> to vector<1x16xf32>
          tpu.vector_store %arg5[%swap3A_103, %swap3A_104], %swap3A_107 {strides = array<i32>} : memref<8x128xf32, #tpu.memory_space<vmem>>, vector<1x16xf32>,
          %swap3A_108 = arith.index_cast %scan3A_66 : i32 to index
          %swap3A_109 = arith.constant 64 : index
          %swap3A_110 = tpu.vector_load %arg5[%swap3A_108, %swap3A_109] {strides = array<i32>} : memref<8x128xf32, #tpu.memory_space<vmem>>, vector<1x16xf32>,
          %swap3A_111 = vector.shape_cast %swap3A_110 : vector<1x16xf32> to vector<16xf32>
          %swap3A_112 = vector.shape_cast %scan3A_87#4 : vector<16xf32> to vector<1x16xf32>
          tpu.vector_store %arg5[%swap3A_108, %swap3A_109], %swap3A_112 {strides = array<i32>} : memref<8x128xf32, #tpu.memory_space<vmem>>, vector<1x16xf32>,
          %swap3A_113 = arith.index_cast %scan3A_66 : i32 to index
          %swap3A_114 = arith.constant 80 : index
          %swap3A_115 = tpu.vector_load %arg5[%swap3A_113, %swap3A_114] {strides = array<i32>} : memref<8x128xf32, #tpu.memory_space<vmem>>, vector<1x16xf32>,
          %swap3A_116 = vector.shape_cast %swap3A_115 : vector<1x16xf32> to vector<16xf32>
          %swap3A_117 = vector.shape_cast %scan3A_87#5 : vector<16xf32> to vector<1x16xf32>
          tpu.vector_store %arg5[%swap3A_113, %swap3A_114], %swap3A_117 {strides = array<i32>} : memref<8x128xf32, #tpu.memory_space<vmem>>, vector<1x16xf32>,
          %swap3A_118 = arith.index_cast %scan3A_66 : i32 to index
          %swap3A_119 = arith.constant 96 : index
          %swap3A_120 = tpu.vector_load %arg5[%swap3A_118, %swap3A_119] {strides = array<i32>} : memref<8x128xf32, #tpu.memory_space<vmem>>, vector<1x16xf32>,
          %swap3A_121 = vector.shape_cast %swap3A_120 : vector<1x16xf32> to vector<16xf32>
          %swap3A_122 = vector.shape_cast %scan3A_87#6 : vector<16xf32> to vector<1x16xf32>
          tpu.vector_store %arg5[%swap3A_118, %swap3A_119], %swap3A_122 {strides = array<i32>} : memref<8x128xf32, #tpu.memory_space<vmem>>, vector<1x16xf32>,
          %swap3A_123 = arith.index_cast %scan3A_66 : i32 to index
          %swap3A_124 = arith.constant 112 : index
          %swap3A_125 = tpu.vector_load %arg5[%swap3A_123, %swap3A_124] {strides = array<i32>} : memref<8x128xf32, #tpu.memory_space<vmem>>, vector<1x16xf32>,
          %swap3A_126 = vector.shape_cast %swap3A_125 : vector<1x16xf32> to vector<16xf32>
          %swap3A_127 = vector.shape_cast %scan3A_87#7 : vector<16xf32> to vector<1x16xf32>
          tpu.vector_store %arg5[%swap3A_123, %swap3A_124], %swap3A_127 {strides = array<i32>} : memref<8x128xf32, #tpu.memory_space<vmem>>, vector<1x16xf32>,
          %scan3A_128 = arith.constant 0 : i32
          scf.yield %scan3A_128 : i32
        }
        %scan3A_63 = arith.constant 8 : i32
        %mul3A_64 = arith.constant 8 : i32
        %mul3A_65 = arith.muli %add3A_19, %mul3A_64 : i32
        "tpu.region"() ({
          %run_scoped3A = tpu.sem_alloc : memref<!tpu.dma_semaphore, #tpu.memory_space<semaphore_mem>>
          %dma_start3A = arith.constant 0 : i32
          %dma_start3A_66 = tpu.memref_slice %arg3[%mul3A_65, %dma_start3A] : memref<4368x128xf32, #tpu.memory_space<hbm>> -> memref<8x128xf32, #tpu.memory_space<hbm>>
          %dma_start3A_67 = arith.constant 0 : i32
          %dma_start3A_68 = tpu.memref_slice %arg3[%mul3A_65, %dma_start3A_67] : memref<4368x128xf32, #tpu.memory_space<hbm>> -> memref<8x128xf32, #tpu.memory_space<hbm>>
          tpu.enqueue_dma source(%arg5 : memref<8x128xf32, #tpu.memory_space<vmem>>) target(%dma_start3A_68 : memref<8x128xf32, #tpu.memory_space<hbm>>) target_semaphore(%run_scoped3A : memref<!tpu.dma_semaphore, #tpu.memory_space<semaphore_mem>>)
          %dma_wait3A_69 = arith.constant 0 : i32
          %dma_wait3A_70 = tpu.memref_slice %arg3[%mul3A_65, %dma_wait3A_69] : memref<4368x128xf32, #tpu.memory_space<hbm>> -> memref<8x128xf32, #tpu.memory_space<hbm>>
          %dma_wait3A_71 = arith.constant 0 : i32
          %dma_wait3A_72 = tpu.memref_slice %arg3[%mul3A_65, %dma_wait3A_71] : memref<4368x128xf32, #tpu.memory_space<hbm>> -> memref<8x128xf32, #tpu.memory_space<hbm>>
          tpu.wait_dma2 semaphore(%run_scoped3A : memref<!tpu.dma_semaphore, #tpu.memory_space<semaphore_mem>>) src(%arg5 : memref<8x128xf32, #tpu.memory_space<vmem>>) dst(%dma_wait3A_72 : memref<8x128xf32, #tpu.memory_space<hbm>>)
          tpu.yield
        }) : () -> ()
      } else {
      }
      %scan3A_39 = arith.constant 0 : i32
      scf.yield %scan3A_39 : i32
    }
    %scan3A_14 = arith.constant 18 : i32
    return
  }
}

module attributes {stable_mosaic.version = 14 : i64} {
  func.func @_tc_tail_body(%arg0: i32, %arg1: memref<300x10000xf32, #tpu.memory_space<hbm>>, %arg2: memref<512x128xf32, #tpu.memory_space<vmem>>, %arg3: memref<512x128xf32, #tpu.memory_space<vmem>>, %arg4: memref<150x128xf32, #tpu.memory_space<vmem>>, %arg5: memref<150x128xf32, #tpu.memory_space<vmem>>, %arg6: memref<300x512xf32, #tpu.memory_space<vmem>>) attributes {dimension_semantics = [#tpu.dimension_semantics<parallel>], iteration_bounds = array<i64: 9>, scalar_prefetch = 0 : i64, scratch_operands = 0 : i64, tpu.core_type = #tpu.core_type<tc>, window_params = [{}, {transform_indices = @transform_1, window_bounds = array<i64: 512, 128>}, {transform_indices = @transform_2, window_bounds = array<i64: 512, 128>}, {pipeline_mode = #tpu.pipeline_mode<synchronous>, transform_indices = @transform_3, window_bounds = array<i64: 150, 128>}, {pipeline_mode = #tpu.pipeline_mode<synchronous>, transform_indices = @transform_4, window_bounds = array<i64: 150, 128>}, {transform_indices = @transform_5, window_bounds = array<i64: 300, 512>}]} {
    %get3A = arith.constant 0 : index
    %get3A_0 = arith.constant 0 : index
    %get3A_1 = vector.load %arg4[%get3A, %get3A_0] : memref<150x128xf32, #tpu.memory_space<vmem>>, vector<150x128xf32>
    %get3A_2 = arith.constant 0 : index
    %get3A_3 = arith.constant 0 : index
    %get3A_4 = vector.load %arg2[%get3A_2, %get3A_3] : memref<512x128xf32, #tpu.memory_space<vmem>>, vector<512x128xf32>
    %dot_general3A = arith.constant dense<0.000000e+00> : vector<150x512xf32>
    %dot_general3A_5 = tpu.matmul %get3A_1, %get3A_4, %dot_general3A {dimension_numbers = #tpu.dot_dimension_numbers<[1], [1], [0], [0], [0, 0, 1, 0], [], []>, transpose_lhs_hint = false} : vector<150x128xf32>, vector<512x128xf32>, vector<150x512xf32> -> vector<150x512xf32>
    %get3A_6 = arith.constant 0 : index
    %get3A_7 = arith.constant 0 : index
    %get3A_8 = vector.load %arg5[%get3A_6, %get3A_7] : memref<150x128xf32, #tpu.memory_space<vmem>>, vector<150x128xf32>
    %mul3A = arith.constant 3.125000e-02 : f32
    %mul3A_9 = vector.broadcast %mul3A : f32 to vector<150x128xf32>
    %mul3A_10 = arith.mulf %get3A_8, %mul3A_9 : vector<150x128xf32>
    %get3A_11 = arith.constant 0 : index
    %get3A_12 = arith.constant 0 : index
    %get3A_13 = vector.load %arg3[%get3A_11, %get3A_12] : memref<512x128xf32, #tpu.memory_space<vmem>>, vector<512x128xf32>
    %dot_general3A_14 = arith.constant dense<0.000000e+00> : vector<150x512xf32>
    %dot_general3A_15 = tpu.matmul %mul3A_10, %get3A_13, %dot_general3A_14 {dimension_numbers = #tpu.dot_dimension_numbers<[1], [1], [0], [0], [0, 0, 1, 0], [], []>, transpose_lhs_hint = false} : vector<150x128xf32>, vector<512x128xf32>, vector<150x512xf32> -> vector<150x512xf32>
    %concatenate3A = tpu.concatenate %dot_general3A_5, %dot_general3A_15 in 0 : vector<150x512xf32>, vector<150x512xf32> -> vector<300x512xf32>
    %max3A = arith.constant 0.000000e+00 : f32
    %max3A_16 = vector.broadcast %max3A : f32 to vector<300x512xf32>
    %max3A_17 = arith.maximumf %concatenate3A, %max3A_16 : vector<300x512xf32>
    %swap3A = arith.constant 0 : index
    %swap3A_18 = arith.constant 0 : index
    %swap3A_19 = vector.load %arg6[%swap3A, %swap3A_18] : memref<300x512xf32, #tpu.memory_space<vmem>>, vector<300x512xf32>
    tpu.vector_store %arg6[%swap3A, %swap3A_18], %max3A_17 {strides = array<i32>} : memref<300x512xf32, #tpu.memory_space<vmem>>, vector<300x512xf32>,
    return
  }
  func.func @transform_1(%arg0: i32) -> (i32, i32) {
    %add3A = arith.constant 11 : i32
    %add3A_0 = arith.addi %arg0, %add3A : i32
    %c0_i32 = arith.constant 0 : i32
    %c0_i32_1 = arith.constant 0 : i32
    return %add3A_0, %c0_i32 : i32, i32
  }
  func.func @transform_2(%arg0: i32) -> (i32, i32) {
    %c0_i32 = arith.constant 0 : i32
    %c0_i32_0 = arith.constant 0 : i32
    return %arg0, %c0_i32 : i32, i32
  }
  func.func @transform_3(%arg0: i32) -> (i32, i32) {
    %c0_i32 = arith.constant 0 : i32
    %c0_i32_0 = arith.constant 0 : i32
    %c0_i32_1 = arith.constant 0 : i32
    return %c0_i32, %c0_i32_0 : i32, i32
  }
  func.func @transform_4(%arg0: i32) -> (i32, i32) {
    %c0_i32 = arith.constant 0 : i32
    %c0_i32_0 = arith.constant 0 : i32
    %c0_i32_1 = arith.constant 0 : i32
    return %c0_i32, %c0_i32_0 : i32, i32
  }
  func.func @transform_5(%arg0: i32) -> (i32, i32) {
    %add3A = arith.constant 11 : i32
    %add3A_0 = arith.addi %arg0, %add3A : i32
    %c0_i32 = arith.constant 0 : i32
    %c0_i32_1 = arith.constant 0 : i32
    return %c0_i32, %add3A_0 : i32, i32
  }
}

module attributes {stable_mosaic.version = 14 : i64} {
  func.func @_tc_fused_body(%arg0: i32, %arg1: memref<512x128xf32, #tpu.memory_space<vmem>>, %arg2: memref<16384x128xf32, #tpu.memory_space<vmem>>, %arg3: memref<150x128xf32, #tpu.memory_space<vmem>>, %arg4: memref<150x128xf32, #tpu.memory_space<vmem>>, %arg5: memref<300x512xf32, #tpu.memory_space<vmem>>) attributes {dimension_semantics = [#tpu.dimension_semantics<parallel>], iteration_bounds = array<i64: 11>, scalar_prefetch = 0 : i64, scratch_operands = 0 : i64, tpu.core_type = #tpu.core_type<tc>, window_params = [{transform_indices = @transform_0, window_bounds = array<i64: 512, 128>}, {transform_indices = @transform_1, window_bounds = array<i64: 16384, 128>}, {pipeline_mode = #tpu.pipeline_mode<synchronous>, transform_indices = @transform_2, window_bounds = array<i64: 150, 128>}, {pipeline_mode = #tpu.pipeline_mode<synchronous>, transform_indices = @transform_3, window_bounds = array<i64: 150, 128>}, {transform_indices = @transform_4, window_bounds = array<i64: 300, 512>}]} {
    %get3A = arith.constant 0 : index
    %get3A_0 = arith.constant 0 : index
    %get3A_1 = vector.load %arg2[%get3A, %get3A_0] : memref<16384x128xf32, #tpu.memory_space<vmem>>, vector<16384x128xf32>
    %reshape3A = vector.shape_cast %get3A_1 : vector<16384x128xf32> to vector<512x32x128xf32>
    %reduce_sum3A = arith.constant dense<0.000000e+00> : vector<512x128xf32>
    %reduce_sum3A_2 = vector.multi_reduction <add>, %reshape3A, %reduce_sum3A [1] : vector<512x32x128xf32> to vector<512x128xf32>
    %div3A = arith.constant 3.200000e+01 : f32
    %div3A_3 = vector.broadcast %div3A : f32 to vector<512x128xf32>
    %div3A_4 = arith.divf %reduce_sum3A_2, %div3A_3 : vector<512x128xf32>
    %get3A_5 = arith.constant 0 : index
    %get3A_6 = arith.constant 0 : index
    %get3A_7 = vector.load %arg3[%get3A_5, %get3A_6] : memref<150x128xf32, #tpu.memory_space<vmem>>, vector<150x128xf32>
    %get3A_8 = arith.constant 0 : index
    %get3A_9 = arith.constant 0 : index
    %get3A_10 = vector.load %arg1[%get3A_8, %get3A_9] : memref<512x128xf32, #tpu.memory_space<vmem>>, vector<512x128xf32>
    %dot_general3A = arith.constant dense<0.000000e+00> : vector<150x512xf32>
    %dot_general3A_11 = tpu.matmul %get3A_7, %get3A_10, %dot_general3A {dimension_numbers = #tpu.dot_dimension_numbers<[1], [1], [0], [0], [0, 0, 1, 0], [], []>, transpose_lhs_hint = false} : vector<150x128xf32>, vector<512x128xf32>, vector<150x512xf32> -> vector<150x512xf32>
    %get3A_12 = arith.constant 0 : index
    %get3A_13 = arith.constant 0 : index
    %get3A_14 = vector.load %arg4[%get3A_12, %get3A_13] : memref<150x128xf32, #tpu.memory_space<vmem>>, vector<150x128xf32>
    %dot_general3A_15 = arith.constant dense<0.000000e+00> : vector<150x512xf32>
    %dot_general3A_16 = tpu.matmul %get3A_14, %div3A_4, %dot_general3A_15 {dimension_numbers = #tpu.dot_dimension_numbers<[1], [1], [0], [0], [0, 0, 1, 0], [], []>, transpose_lhs_hint = false} : vector<150x128xf32>, vector<512x128xf32>, vector<150x512xf32> -> vector<150x512xf32>
    %concatenate3A = tpu.concatenate %dot_general3A_11, %dot_general3A_16 in 0 : vector<150x512xf32>, vector<150x512xf32> -> vector<300x512xf32>
    %max3A = arith.constant 0.000000e+00 : f32
    %max3A_17 = vector.broadcast %max3A : f32 to vector<300x512xf32>
    %max3A_18 = arith.maximumf %concatenate3A, %max3A_17 : vector<300x512xf32>
    %swap3A = arith.constant 0 : index
    %swap3A_19 = arith.constant 0 : index
    %swap3A_20 = vector.load %arg5[%swap3A, %swap3A_19] : memref<300x512xf32, #tpu.memory_space<vmem>>, vector<300x512xf32>
    tpu.vector_store %arg5[%swap3A, %swap3A_19], %max3A_18 {strides = array<i32>} : memref<300x512xf32, #tpu.memory_space<vmem>>, vector<300x512xf32>,
    return
  }
  func.func @transform_0(%arg0: i32) -> (i32, i32) {
    %c0_i32 = arith.constant 0 : i32
    %c0_i32_0 = arith.constant 0 : i32
    return %arg0, %c0_i32 : i32, i32
  }
  func.func @transform_1(%arg0: i32) -> (i32, i32) {
    %c0_i32 = arith.constant 0 : i32
    %c0_i32_0 = arith.constant 0 : i32
    return %arg0, %c0_i32 : i32, i32
  }
  func.func @transform_2(%arg0: i32) -> (i32, i32) {
    %c0_i32 = arith.constant 0 : i32
    %c0_i32_0 = arith.constant 0 : i32
    %c0_i32_1 = arith.constant 0 : i32
    return %c0_i32, %c0_i32_0 : i32, i32
  }
  func.func @transform_3(%arg0: i32) -> (i32, i32) {
    %c0_i32 = arith.constant 0 : i32
    %c0_i32_0 = arith.constant 0 : i32
    %c0_i32_1 = arith.constant 0 : i32
    return %c0_i32, %c0_i32_0 : i32, i32
  }
  func.func @transform_4(%arg0: i32) -> (i32, i32) {
    %c0_i32 = arith.constant 0 : i32
    %c0_i32_0 = arith.constant 0 : i32
    return %c0_i32, %arg0 : i32, i32
  }
}

</mosaic_0001>

<sc_bundles>
// kernel: kernel.5.cloned.1.call-start
scs
__scs_entry_jumppad:
0x0: {  	(pc) =	sbr.rel $0x88, $3  }
0x1: {  	(tag) =	ssettag $0x0;
	lr =	simm.s32 $0x1  }
0x2: {  	[smem:$0x3F9D] =	sst lr;
	_ =	strace $0xD0000000  }
0x3: {  	_ = 	snop  }
0x4: {  	_ = 	snop  }
0x5: {  	_ = 	snop  }
0x6: {  	_ = 	snop  }
0x7: {  	_ = 	snop  }
__scs_overlays_trampoline_lowered:
0x8: {  	[smem:$0x3FAC] =	sst s0  }
0x9: {  	[smem:$0x3FAD] =	sst s1  }
0xa: {  	[smem:$0x3FAE] =	sst s2  }
0xb: {  	[smem:$0x3FAF] =	sst s3  }
0xc: {  	[smem:$0x3FB0] =	sst s4  }
0xd: {  	[smem:$0x3FB1] =	sst s5  }
0xe: {  	[smem:$0x3FB2] =	sst s6  }
0xf: {  	[smem:$0x3FB3] =	sst s7  }
0x10: {  	[smem:$0x3FB4] =	sst s8  }
0x11: {  	[smem:$0x3FB5] =	sst s9;
	s0 =	simm.s32 @!p0 $0x0  }
0x12: {  	s1 =	sld [smem:$0x3F9B];
	s0 =	simm.s32 @p0 $0x1  }
0x13: {  	[smem:$0x3FB6] =	sst s0;
	s0 =	simm.s32 @!p1 $0x0  }
0x14: {  	s2 =	sld [smem:$0x3F9A];
	s0 =	simm.s32 @p1 $0x1  }
0x15: {  	[smem:$0x3FB7] =	sst s0;
	s0 =	simm.s32 @!p2 $0x0  }
0x16: {  	s3 =	sld [smem:$0x3FDB];
	s0 =	simm.s32 @p2 $0x1  }
0x17: {  	s4 =	simm.s32 $0x1BF5;
	[smem:$0x3FB9] =	sst s0  }
0x18: {  	s0 =	sld [smem:$0x3F9C];
	_ =	swait.ge [sflag:s4], $0x0  }
0x19: {  	s7 =	sld [smem:$0x3F9D]  }
0x1a: {  	s8 =	sadd.s32 $0xFFFFE003, lr  }
0x1b: {  	s9 =	sadd.s32 $0xFFFFFEF7, lr;
	s5 =	simm.s32 $0xFFFFFFFF;
	p2 =	slt.u32 s8, $0xFFFFF086  }
0x1c: {  	p1 =	slt.u32 s9, $0xF7A;
	s5 =	simm.s32 @!p2 $0x0  }
0x1d: {  	s5 =	simm.s32 @p1 $0x1;
	p0 =	seq.s32 s7, s2  }
0x1e: {  	s7 =	smul.u32 @!p0 $0xF7A, s2;
	p2 =	seq.s32 @!p0 s5, $0x0  }
0x1f: {  	s9 =	smul.u32 $0xF7A, s1;
	s8 =	simm.s32 @!p0 $0x1BF5;
	p2 =	por !p2, p0  }
0x20: {  	[sflag:s8] =	ssyncset.s32 @!p0 $0xFFFFF086;
	s6 =	sadd.s32 @!p0 s3, s7;
	s7 =	simm.s32 @!p0 $0x108  }
0x21: {  	s3 =	sadd.s32 s3, s9;
	s6 =	sadd.s32 @!p0 $0x88, s6;
	s7 =	simm.s32 @p2 $0x1082  }
0x22: {  	[simem:s7], [sflag:s8] =	dma.local @!p0 [hbm:s6], $0xF7A  }
0x23: {  	s9 =	sor.u32 $0xD0000000, s2;
	s6 =	simm.s32 $0x108;
	_ =	swait.ge @!p0 [sflag:s8], $0x0  }
0x24: {  	s3 =	sadd.s32 $0x88, s3;
	s6 =	simm.s32 @!p1 $0x1082;
	[sflag:s4] =	ssyncset.s32 $0xFFFFF086  }
0x25: {  	[simem:s6], [sflag:s4] =	dma.local [hbm:s3], $0xF7A  }
0x26: {  	[smem:$0x3F9D] =	sst s1;
	(tag) =	ssettag s2;
	_ =	strace s9  }
0x27: {  	s1 =	sld [smem:$0x3FAD]  }
0x28: {  	s2 =	sld [smem:$0x3FAE]  }
0x29: {  	s4 =	sld [smem:$0x3FB0]  }
0x2a: {  	p0 =	seq.s32 s5, $0x0;
	s5 =	sld [smem:$0x3FB1]  }
0x2b: {  	s6 =	sld [smem:$0x3FB2]  }
0x2c: {  	s7 =	sld [smem:$0x3FB3]  }
0x2d: {  	s3 =	simm.s32 $0x108;
	s8 =	sld [smem:$0x3FB4]  }
0x2e: {  	s3 =	simm.s32 @!p0 $0x1082;
	s9 =	sld [smem:$0x3FB5]  }
0x2f: {  	lr =	sadd.s32 s0, s3;
	s0 =	sld [smem:$0x3FAC]  }
0x30: {  	s3 =	sld [smem:$0x3FAF]  }
0x31: {  	[smem:$0x3FB8] =	sst s10  }
0x32: {  	s10 =	sld [smem:$0x3FB6];
	_ =	sdelay $0x3  }
0x33: {  	p0 =	seq.s32 s10, $0x1;
	s10 =	sld [smem:$0x3FB8];
	_ =	sdelay $0x3  }
0x34: {  	[smem:$0x3FB8] =	sst s10  }
0x35: {  	s10 =	sld [smem:$0x3FB7];
	_ =	sdelay $0x3  }
0x36: {  	p1 =	seq.s32 s10, $0x1;
	s10 =	sld [smem:$0x3FB8];
	_ =	sdelay $0x3  }
0x37: {  	[smem:$0x3FB8] =	sst s10  }
0x38: {  	s10 =	sld [smem:$0x3FB9]  }
0x39: {  	_ = 	snop;
	(pc) =	sbr.ind lr, $3  }
0x3a: {  	_ = 	snop  }
0x3b: {  	_ = 	snop  }
0x3c: {  	p2 =	seq.s32 s10, $0x1;
	s10 =	sld [smem:$0x3FB8]  }
0x3d: {  	_ =	shalt  }
0x3e: {  	_ =	shalt  }
0x3f: {  	_ =	shalt  }
0x40: {  	_ =	shalt  }
0x41: {  	_ =	shalt  }
0x42: {  	_ =	shalt  }
0x43: {  	_ =	shalt  }
0x44: {  	_ =	shalt  }
0x45: {  	_ =	shalt  }
0x46: {  	_ =	shalt  }
0x47: {  	_ =	shalt  }
0x48: {  	_ =	shalt  }
0x49: {  	_ =	shalt  }
0x4a: {  	_ =	shalt  }
0x4b: {  	_ =	shalt  }
0x4c: {  	_ =	shalt  }
0x4d: {  	_ =	shalt  }
0x4e: {  	_ =	shalt  }
0x4f: {  	_ =	shalt  }
0x50: {  	_ =	shalt  }
0x51: {  	_ =	shalt  }
0x52: {  	_ =	shalt  }
0x53: {  	_ =	shalt  }
0x54: {  	_ =	shalt  }
0x55: {  	_ =	shalt  }
0x56: {  	_ =	shalt  }
0x57: {  	_ =	shalt  }
0x58: {  	_ =	shalt  }
0x59: {  	_ =	shalt  }
0x5a: {  	_ =	shalt  }
0x5b: {  	_ =	shalt  }
0x5c: {  	_ =	shalt  }
0x5d: {  	_ =	shalt  }
0x5e: {  	_ =	shalt  }
0x5f: {  	_ =	shalt  }
0x60: {  	_ =	shalt  }
0x61: {  	_ =	shalt  }
0x62: {  	_ =	shalt  }
0x63: {  	_ =	shalt  }
0x64: {  	_ =	shalt  }
0x65: {  	_ =	shalt  }
0x66: {  	_ =	shalt  }
0x67: {  	_ =	shalt  }
0x68: {  	_ =	shalt  }
0x69: {  	_ =	shalt  }
0x6a: {  	_ =	shalt  }
0x6b: {  	_ =	shalt  }
0x6c: {  	_ =	shalt  }
0x6d: {  	_ =	shalt  }
0x6e: {  	_ =	shalt  }
0x6f: {  	_ =	shalt  }
0x70: {  	_ =	shalt  }
0x71: {  	_ =	shalt  }
0x72: {  	_ =	shalt  }
0x73: {  	_ =	shalt  }
0x74: {  	_ =	shalt  }
0x75: {  	_ =	shalt  }
0x76: {  	_ =	shalt  }
0x77: {  	_ =	shalt  }
0x78: {  	_ =	shalt  }
0x79: {  	_ =	shalt  }
0x7a: {  	_ =	shalt  }
0x7b: {  	_ =	shalt  }
0x7c: {  	_ =	shalt  }
0x7d: {  	_ =	shalt  }
0x7e: {  	_ =	shalt  }
0x7f: {  	_ =	shalt  }
0x80: {  	_ =	shalt  }
0x81: {  	_ =	shalt  }
0x82: {  	_ =	shalt  }
0x83: {  	_ =	shalt  }
0x84: {  	_ =	shalt  }
0x85: {  	_ =	shalt  }
0x86: {  	_ =	shalt  }
0x87: {  	_ =	shalt  }
.Lfunc_end0:
.L_simem_size_0:
called_computation_lowered:
.L_overlay_start_0:
0x88: {  	s2 =	sld [smem:$0x3FD9]  }
0x89: {  	s3 =	sld [smem:$0x3FFE];
	_ =	sdelay $0x1  }
0x8a: {  	s1 =	srdreg.scid  }
0x8b: {  	s0 =	sand.u32 $0x1, s1  }
0x8c: {  	s17 =	sshll.u32 s0, $0xA;
	s2 =	sadd.s32 s3, s2  }
0x8d: {  	s2 =	sadd.s32 s2, s17  }
0x8e: {  	[smem:$0x3FC4] =	sst s2  }
0x8f: {  	_ = 	snop  }
0x90: {  	s2 =	sld [smem:$0x3FC8];
	(tm) =	ssettm $0x1  }
0x91: {  	s18 =	sld [smem:$0x3FFB];
	_ =	sdelay $0x3  }
0x92: {  	_ =	strace s18  }
0x93: {  	s3 =	sld [smem:$0x3FFC];
	_ =	sdelay $0x3  }
0x94: {  	_ =	strace s3  }
0x95: {  	s3 =	sld [smem:$0x3FFD];
	_ =	sdelay $0x3  }
0x96: {  	_ =	strace s3  }
0x97: {  	_ =	strace $0x8FFFFFFF  }
0x98: {  	s19 =	sld [smem:$0x3FDB];
	_ =	sdelay $0x1  }
0x99: {  	s4 =	simm.s32 $_scs_section_size  }
0x9a: {  	s5 =	simm.s32 $_size__tile_overlayer_lowered;
	s6 =	simm.s32 $_tile_overlayer_lowered  }
0x9b: {  	s22 =	simm.s32 $0x1BFF;
	s21 =	sshll.u32 s6, $0x1;
	s3 =	sadd.s32 s4, s19  }
0x9c: {  	s7 =	simm.s32 $0x0;
	s20 =	sshll.u32 s5, $0x1;
	s5 =	sadd.s32 s21, s3  }
0x9d: {  	[timem:s7], [sflag:s22] =	dma.local [hbm:s5], s20  }
0x9e: {  	_ =	swait.ge [sflag:s22], s20  }
0x9f: {  	s4 =	ssub.s32 $0x0, s20;
	[sflag:s22] =	ssyncset.done $0x0  }
0xa0: {  	[sflag:s22] =	ssyncadd.s32 s4;
	_ =	sdelay $0x1  }
0xa1: {  	s23 =	simm.s32 $0x1B8B  }
0xa2: {  	_ =	swait.ge [sflag:s23], $0x1  }
0xa3: {  	[sflag:s23] =	ssyncset.done $0x0  }
0xa4: {  	s25 =	simm.s32 $0x1B8E;
	s24 =	sld [smem:$0x3FFE];
	[sflag:s23] =	ssyncadd.s32 $0xFFFFFFFF  }
0xa5: {  	s26 =	simm.s32 $execute0_lowered;
	[smem:$0x3FD2] =	sst s25  }
0xa6: {  	s5 =	sshll.u32 s26, $0x1;
	_ =	strace $0x80000046;
	[dreg:$0x1] =	wrdreg $0xFFFFFFFF  }
0xa7: {  	s28 =	simm.s32 $_size_execute0_lowered;
	s3 =	sadd.s32 s3, s5;
	[dreg:$0x0] =	wrdreg $0x0  }
0xa8: {  	s5 =	sshll.u32 s28, $0x1;
	[dreg:$0x2] =	wrdreg s3  }
0xa9: {  	[dreg:$0x3] =	wrdreg s5  }
0xaa: {  	[dreg:$0x4] =	wrdreg $0xC0  }
0xab: {  	_ =	task [dreg:s7], $0x5FFFF  }
0xac: {  	[dreg:$0x1] =	wrdreg $0xFFFFFFFF  }
0xad: {  	[dreg:$0x0] =	wrdreg $0x60  }
0xae: {  	[dreg:$0x2] =	wrdreg s2  }
0xaf: {  	[dreg:$0x3] =	wrdreg s24  }
0xb0: {  	[dreg:$0x4] =	wrdreg $0x9  }
0xb1: {  	_ =	task.clear_ibuf [dreg:s7], $0x5FFFF;
	_ =	strace $0x90000046  }
0xb2: {  	s29 =	simm.s32 $0x9;
	_ =	strace $0x80000048  }
0xb3: {  	_ =	swait.ge [sflag:s29], $0x1  }
0xb4: {  	[sflag:s29] =	ssyncadd.s32 $0xFFFFFFFF  }
0xb5: {  	_ =	strace $0x90000048  }
0xb6: {  	_ =	sfence  }
0xb7: {  	s30 =	sld [smem:$0x0];
	_ =	sdelay $0x2  }
0xb8: {  	s31 =	sshll.u32 s1, $0xD;
	s1 =	sshrl.u32 s1, $0x2  }
0xb9: {  	s3 =	sand.u32 $0x4000, s31;
	s1 =	sadd.s32 s1, s30  }
0xba: {  	s0 =	sor.u32 s3, s0;
	s1 =	sshll.u32 s1, $0x11  }
0xbb: {  	s0 =	sor.u32 s1, s0  }
0xbc: {  	s0 =	sadd.s32 $0x8F2B, s0  }
0xbd: {  	[sflag:s0] =	ssyncadd.remote.s32 $0x1  }
0xbe: {  	_ =	sfence.sel $0xFFFF  }
0xbf: {  	[dreg:$0x0] =	wrdreg $0xFFFFFFFF;
	(pc) =	sbr.abs _section_cstart, $3  }
0xc0: {  	[dreg:$0x1] =	wrdreg $0xFFFFFFFF  }
0xc1: {  	_ =	task.clear_ibuf [dreg:s7], $0x2FFFF;
	_ =	strace $0x9FFFFFFF  }
0xc2: {  	(tm) =	ssettm $0x7FFFFFFF  }
0xc3: {  	_ =	shalt  }
tec
execute0_lowered:
.L_overlay_start_1:
0x0: {  	(tag) =	ssettag $0x1  }
0x1: {  	s4 =	rddreg [dreg:$0x0]  }
0x2: {  	s5 =	rddreg [dreg:$0x1]  }
0x3: {  	s0 =	rddreg [dreg:$0x2];
	s3 =	srdreg.scid;
	s2 =	simm.s32 $0x0  }
0x4: {  	s1 =	stileid.u32;
	s9 =	simm.s32 $0x3;
	s10 =	simm.s32 $0x0  }
.Ltmp0:
0x5: {  	s3 =	sand.u32 $0x1, s3;
	[smem:$0x7FF] =	sst s2;
	(pc) =	sbr.rel .LBB2_1-.Ltmp0, $4  }
0x6: {  	s7 =	sshll.u32 s1, $0x1;
	s4 =	sadd.s32 $0x2C0000, s4;
	s6 =	ssub.s32 $0x2, s3  }
0x7: {  	s5 =	sadd.s32 $0xC00, s5;
	s3 =	sor.u32 s3, s7;
	s8 =	sshrl.u32 s6, $0x1  }
0x8: {  	_ =	strace $0x80000047;
	s31 =	sshll.u32 s3, $0xC;
	s30 =	ssub.s32 s6, s8  }
0x9: {  	s6 =	sadd.s32 s31, s4;
	s8 =	simm.s32 $0x10000;
	s7 =	smax.u32 s30, $0x1  }
.LBB2_9:
0xa: {  	s10 =	sadd.s32 $0x1, s10  }
0xb: {  	p0 =	sne.s32 s10, s7  }
.Ltmp1:
0xc: {  	_ = 	snop;
	(pc) =	sbr.rel @!p0 .LBB2_10-.Ltmp1, $1  }
0xd: {  	_ =	sdelay $0x3  }
.LBB2_1:
.Ltmp2:
0xe: {  	(pc) =	sbr.rel .LBB2_2-.Ltmp2, $3  }
0xf: {  	_ =	sdelay $0x1  }
0x10: {  	[tilespmem:s2], [sflag:$0x1] =	stream.linear.gather [hbm4b:s6+s2], $0x8000, $0x38;
	[tilespmem:$0x10400] =	vst v63  }
0x11: {  	p0 =	por $0x0, $0x0;
	s13 =	simm.s32 $0x0  }
.LBB2_8:
0x12: {  	p1 =	sne.s32 s11, $0x12  }
.Ltmp3:
0x13: {  	_ = 	snop;
	(pc) =	sbr.rel @!p1 .LBB2_9-.Ltmp3, $2  }
0x14: {  	_ =	sdelay $0x2  }
0x15: {  	p0 =	por !p0, !p0;
	s13 =	smov.u32 s11  }
.LBB2_2:
0x16: {  	s11 =	sadd.s32 $0x1, s13  }
0x17: {  	s12 =	sshll.u32 s11, $0x5  }
0x18: {  	s31 =	sshll.u32 s13, $0x5;
	s14 =	sor.u32 s3, s12  }
0x19: {  	s12 =	sor.u32 s3, s31;
	p1 =	sgt.u32 s14, $0x221  }
0x1a: {  	s15 =	sand.u32 @!p1 $0x1, s11;
	s14 =	sshll.u32 @!p1 s14, $0xC;
	s17 =	simm.s32 @!p1 $0x0  }
0x1b: {  	s16 =	sshll.u32 @!p1 s15, $0xF;
	s15 =	sadd.s32 @!p1 $0x1, s15;
	s14 =	sadd.s32 @!p1 s14, s4  }
0x1c: {  	[tilespmem:s16], [sflag:s15] =	stream.linear.gather @!p1 [hbm4b:s14+s17], $0x8000, $0x38;
	[tilespmem:$0x10400] =	vst v63  }
0x1d: {  	p1 =	sgt.u32 s12, $0x221  }
.Ltmp4:
0x1e: {  	_ = 	snop;
	(pc) =	sbr.rel @p1 .LBB2_8-.Ltmp4, $1  }
0x1f: {  	_ =	sdelay $0x3  }
0x20: {  	s13 =	sand.u32 $0x1, s13  }
0x21: {  	s14 =	sadd.s32 $0x1, s13  }
0x22: {  	s13 =	simm.s32 $0x1;
	_ =	swait.ge [sflag:s14], $0x8000  }
0x23: {  	s13 =	simm.s32 @!p0 $0x0;
	[sflag:s14] =	ssyncset.done $0x0  }
0x24: {  	s13 =	sshll.u32 s13, $0xF;
	[sflag:s14] =	ssyncadd.s32 $0xFFFF8000;
	s14 =	simm.s32 $0x0  }
.LBB2_4:
0x25: {  	v2 =	vmov s13;
	_ =	sdelay $0x3  }
0x26: {  	s15 =	simm.s32 $0x0  }
0x27: {  	v6 =	vld.idx.msk [tilespmem:v2+s15+$0x80 ss:$0x1], $0xffff  }
0x28: {  	v3 =	vld.idx.msk [tilespmem:v2+s15+$0x90 ss:$0x1], $0xffff  }
0x29: {  	v4 =	vld.idx.msk [tilespmem:v2+s15+$0xA0 ss:$0x1], $0xffff  }
0x2a: {  	v5 =	vld.idx.msk [tilespmem:v2+s15+$0xB0 ss:$0x1], $0xffff  }
0x2b: {  	v1 =	vld.idx.msk [tilespmem:v2+s15+$0xC0 ss:$0x1], $0xffff  }
0x2c: {  	v0 =	vld.idx.msk [tilespmem:v2+s15+$0xD0 ss:$0x1], $0xffff  }
0x2d: {  	v20 =	vld.idx.msk [tilespmem:v2+s15+$0x0 ss:$0x1], $0xffff  }
0x2e: {  	v21 =	vld.idx.msk [tilespmem:v2+s15+$0x10 ss:$0x1], $0xffff  }
0x2f: {  	v19 =	vld.idx.msk [tilespmem:v2+s15+$0x20 ss:$0x1], $0xffff  }
0x30: {  	v18 =	vld.idx.msk [tilespmem:v2+s15+$0x30 ss:$0x1], $0xffff  }
0x31: {  	v12 =	vimm.f32 $0.0e+00;
	v13 =	vimm.f32 $0.0e+00;
	v15 =	vld.idx.msk [tilespmem:v2+s15+$0x40 ss:$0x1], $0xffff  }
0x32: {  	v14 =	vimm.f32 $0.0e+00;
	v11 =	vimm.f32 $0.0e+00;
	v8 =	vimm.f32 $0.0e+00;
	v16 =	vld.idx.msk [tilespmem:v2+s15+$0x50 ss:$0x1], $0xffff  }
0x33: {  	s16 =	simm.s32 $0x400;
	v10 =	vimm.f32 $0.0e+00;
	v9 =	vimm.f32 $0.0e+00;
	v7 =	vimm.f32 $0.0e+00;
	v17 =	vld.idx.msk [tilespmem:v2+s15+$0x60 ss:$0x1], $0xffff  }
.LBB2_5:
0x34: {  	p1 =	sne.s32 s16, $0x3C00;
	v22 =	vld.idx.msk [tilespmem:v2+s15+$0x70 ss:$0x1], $0xffff  }
0x35: {  	v12 =	vadd.f32 v20, v12;
	v13 =	vadd.f32 v21, v13;
	v20 =	vld.idx.msk [tilespmem:v2+s15+$0xE0 ss:$0x1], $0xffff  }
0x36: {  	v14 =	vadd.f32 v19, v14;
	v11 =	vadd.f32 v18, v11;
	v18 =	vld.idx.msk [tilespmem:v2+s15+$0xF0 ss:$0x1], $0xffff;
	s15 =	sshra.s32 s16, $0x2  }
0x37: {  	v12 =	vadd.f32 v6, v12;
	v13 =	vadd.f32 v3, v13;
	v6 =	vld.idx.msk [tilespmem:v2+s15+$0x80 ss:$0x1], $0xffff  }
0x38: {  	v14 =	vadd.f32 v4, v14;
	v11 =	vadd.f32 v5, v11;
	v3 =	vld.idx.msk [tilespmem:v2+s15+$0x90 ss:$0x1], $0xffff  }
0x39: {  	v8 =	vadd.f32 v15, v8;
	v10 =	vadd.f32 v16, v10;
	v4 =	vld.idx.msk [tilespmem:v2+s15+$0xA0 ss:$0x1], $0xffff  }
0x3a: {  	v9 =	vadd.f32 v17, v9;
	v7 =	vadd.f32 v22, v7;
	v5 =	vld.idx.msk [tilespmem:v2+s15+$0xB0 ss:$0x1], $0xffff  }
0x3b: {  	v8 =	vadd.f32 v1, v8;
	v10 =	vadd.f32 v0, v10;
	v1 =	vld.idx.msk [tilespmem:v2+s15+$0xC0 ss:$0x1], $0xffff  }
0x3c: {  	v9 =	vadd.f32 v20, v9;
	v7 =	vadd.f32 v18, v7;
	v0 =	vld.idx.msk [tilespmem:v2+s15+$0xD0 ss:$0x1], $0xffff  }
0x3d: {  	v20 =	vld.idx.msk [tilespmem:v2+s15+$0x0 ss:$0x1], $0xffff  }
0x3e: {  	v21 =	vld.idx.msk [tilespmem:v2+s15+$0x10 ss:$0x1], $0xffff  }
.Ltmp5:
0x3f: {  	v19 =	vld.idx.msk [tilespmem:v2+s15+$0x20 ss:$0x1], $0xffff;
	(pc) =	sbr.rel @p1 .LBB2_5-.Ltmp5, $4  }
0x40: {  	v18 =	vld.idx.msk [tilespmem:v2+s15+$0x30 ss:$0x1], $0xffff  }
0x41: {  	v15 =	vld.idx.msk [tilespmem:v2+s15+$0x40 ss:$0x1], $0xffff  }
0x42: {  	v16 =	vld.idx.msk [tilespmem:v2+s15+$0x50 ss:$0x1], $0xffff  }
0x43: {  	s16 =	sadd.s32 $0x400, s16;
	v17 =	vld.idx.msk [tilespmem:v2+s15+$0x60 ss:$0x1], $0xffff  }
0x44: {  	_ =	sdelay $0x1  }
0x45: {  	v12 =	vadd.f32 v20, v12  }
0x46: {  	v13 =	vadd.f32 v21, v13  }
0x47: {  	v57 =	vld.idx.msk [tilespmem:v2+s15+$0x70 ss:$0x1], $0xffff;
	v14 =	vadd.f32 v19, v14;
	s16 =	sshll.u32 s14, $0x7;
	v6 =	vadd.f32 v6, v12  }
0x48: {  	v58 =	vld.idx.msk [tilespmem:v2+s15+$0xE0 ss:$0x1], $0xffff;
	v11 =	vadd.f32 v18, v11;
	s31 =	sand.u32 $0x3FFFFF80, s16;
	v3 =	vadd.f32 v3, v13  }
0x49: {  	v59 =	vld.idx.msk [tilespmem:v2+s15+$0xF0 ss:$0x1], $0xffff;
	v4 =	vadd.f32 v4, v14;
	v8 =	vadd.f32 v15, v8;
	[tilespmem:s31+$0x10000] =	vst v6  }
0x4a: {  	s14 =	sadd.s32 $0x1, s14;
	v5 =	vadd.f32 v5, v11;
	v60 =	vadd.f32 v16, v10;
	[tilespmem:s31+$0x10010] =	vst v3  }
0x4b: {  	p1 =	sne.s32 s14, $0x8;
	v61 =	vadd.f32 v17, v9;
	v1 =	vadd.f32 v1, v8;
	[tilespmem:s31+$0x10020] =	vst v4  }
.Ltmp6:
0x4c: {  	v62 =	vadd.f32 v57, v7;
	v0 =	vadd.f32 v0, v60;
	[tilespmem:s31+$0x10030] =	vst v5;
	(pc) =	sbr.rel @p1 .LBB2_4-.Ltmp6, $4  }
0x4d: {  	v3 =	vadd.f32 v58, v61;
	[tilespmem:s31+$0x10040] =	vst v1  }
0x4e: {  	v63 =	vadd.f32 v59, v62;
	[tilespmem:s31+$0x10050] =	vst v0  }
0x4f: {  	[tilespmem:s31+$0x10060] =	vst v3  }
0x50: {  	s13 =	sadd.s32 $0x1000, s13;
	[tilespmem:s31+$0x10070] =	vst v63  }
0x51: {  	s12 =	sshll.u32 s12, $0x7  }
.Ltmp7:
0x52: {  	s12 =	sadd.s32 s5, s12;
	(pc) =	sbr.rel .LBB2_8-.Ltmp7, $4  }
0x53: {  	[hbm4b:s12+s2] =	stream.linear.scatter [tilespmem:s8], [sflag:$0x3], $0x400, $0x38;
	[tilespmem:$0x10400] =	vst v63  }
0x54: {  	_ =	swait.ge [sflag:s9], $0x400  }
0x55: {  	[sflag:s9] =	ssyncset.done $0x0  }
0x56: {  	[sflag:s9] =	ssyncadd.s32 $0xFFFFFC00  }
.LBB2_10:
0x57: {  	_ =	sfence.sel $0x180000  }
0x58: {  	[bflag:$0x0] =	sbarrier.arrive $0xFFFF  }
0x59: {  	p0 =	sne.s32 s1, $0x0;
	_ =	strace $0x90000047  }
0x5a: {  	s0 =	sadd.s32 @!p0 $0x100000, s0;
	[bflag:$0x2] =	sbarrier.arrive $0xFFFF  }
0x5b: {  	[sflag:s0] =	ssyncadd.tile.s32 @!p0 $0x1;
	_ =	shalt  }
.Lfunc_end2:
_tile_overlayer_lowered:
.L_overlay_start_2:
0x5c: {  	(tag) =	ssettag $0x2  }
0x5d: {  	s0 =	rddreg [dreg:$0x0];
	s2 =	stileid.u32  }
0x5e: {  	s1 =	rddreg [dreg:$0x1];
	p0 =	sne.s32 s2, $0x0  }
0x5f: {  	s3 =	rddreg [dreg:$0x2];
	[bflag:$0x3] =	sbarrier.arrive $0xFFFF;
	s2 =	simm.s32 @!p0 $0x1C03  }
0x60: {  	[timem:s3], [sflag:s2] =	dma.local @!p0 [hbm:s0], s1  }
0x61: {  	s0 =	simm.s32 @!p0 $0x3  }
0x62: {  	_ =	swait.ge @!p0 [sflag:s0], s1  }
0x63: {  	s1 =	ssub.s32 @!p0 $0x0, s1;
	[sflag:s0] =	ssyncset.done @!p0 $0x0  }
0x64: {  	[sflag:s0] =	ssyncadd.s32 @!p0 s1  }
0x65: {  	[bflag:$0x3] =	sbarrier.arrive $0xFFFF  }
0x66: {  	_ =	shalt  }

</sc_bundles>
